<compile_context>
chip_gen: v7x
topology: tpu7x:2x2x1
jax: 0.10.2.dev20260603
libtpu: 0.0.44.dev20260713+nightly
codegen_flags: <defaults>
</compile_context>

<pallas_src>
import functools

import jax
import jax.numpy as jnp
from jax import lax
from jax.experimental import pallas as pl
from jax.experimental.pallas import tpu as pltpu
from jax.experimental.pallas import tpu_sc as plsc

DIM = 128
BATCH = 16384

NC = 2
NS = 16
NW = NC * NS
B_PER_W = BATCH // NW


NUM_HOURS = 24
CH = 256
NCHUNK = B_PER_W // CH
SIZES = (CH,) * NCHUNK
STARTS = tuple(c * CH for c in range(NCHUNK))
IDX_SPLIT = CH


def _make_lookup():
    mesh = plsc.VectorSubcoreMesh(core_axis_name="c", subcore_axis_name="s")

    @functools.partial(
        pl.kernel,
        mesh=mesh,
        out_type=jax.ShapeDtypeStruct((BATCH, DIM), jnp.float32),
        scratch_types=[
            pltpu.VMEM((B_PER_W,), jnp.int32),
            pltpu.VMEM((CH, DIM), jnp.float32),
            pltpu.VMEM((CH, DIM), jnp.float32),
            pltpu.VMEM_SHARED((NUM_HOURS, DIM), jnp.float32),
            pltpu.SemaphoreType.DMA,
            pltpu.SemaphoreType.DMA,
            pltpu.SemaphoreType.DMA,
            pltpu.SemaphoreType.DMA,
            pltpu.SemaphoreType.DMA,
            pltpu.SemaphoreType.DMA,
        ],
    )
    def k(table_hbm, idx_hbm, out_hbm, idx_v, rows0, rows1, table_sh,
          g0, g1, o0, o1, i0, i1):
        sid = lax.axis_index("s")
        wid = sid * NC + lax.axis_index("c")
        base = wid * B_PER_W
        idx_copies = [
            pltpu.async_copy(
                idx_hbm.at[pl.ds(base, IDX_SPLIT)],
                idx_v.at[pl.ds(0, IDX_SPLIT)],
                i0,
            ),
            pltpu.async_copy(
                idx_hbm.at[pl.ds(base + IDX_SPLIT, B_PER_W - IDX_SPLIT)],
                idx_v.at[pl.ds(IDX_SPLIT, B_PER_W - IDX_SPLIT)],
                i1,
            ),
        ]
        @pl.when(sid < NUM_HOURS // 2)
        def _():
            pltpu.sync_copy(
                table_hbm.at[pl.ds(sid * 2, 2)], table_sh.at[pl.ds(sid * 2, 2)]
            )

        plsc.subcore_barrier()

        bufs = (rows0, rows1)
        gsems = (g0, g1)
        osems = (o0, o1)
        gathers = [None] * NCHUNK
        outs = [None] * NCHUNK
        idx_waited = [False, False]
        for c in range(NCHUNK):
            b = c % 2
            if c >= 2:
                outs[c - 2].wait()
            need = 0 if STARTS[c] + SIZES[c] <= IDX_SPLIT else 1
            for w in range(need + 1):
                if not idx_waited[w]:
                    idx_copies[w].wait()
                    idx_waited[w] = True
            gathers[c] = pltpu.async_copy(
                table_sh.at[idx_v.at[pl.ds(STARTS[c], SIZES[c])]],
                bufs[b].at[pl.ds(0, SIZES[c])],
                gsems[b],
            )
            gathers[c].wait()
            outs[c] = pltpu.async_copy(
                bufs[b].at[pl.ds(0, SIZES[c])],
                out_hbm.at[pl.ds(base + STARTS[c], SIZES[c])],
                osems[b],
            )
        outs[NCHUNK - 2].wait()
        outs[NCHUNK - 1].wait()

    return k


_lookup = _make_lookup()


def kernel(hour, hour_table):
    idx = hour.astype(jnp.int32)
    return _lookup(hour_table, idx)

# --- scband reference (transcript-rebuilt; emitter-appended) ---
"""Pipeline reference for scband-semantic-encoder-81698867904533 (READ-ONLY COPY).

The authoritative reference and input builder live on the scoring server;
editing this copy changes nothing except your own understanding.
"""

import jax, jax.numpy as jnp
import numpy as np

DIM = 128
BATCH = 16384
NUM_HOURS = 24

def setup_inputs(seed: int = 0) -> dict:
    key = jax.random.key(seed)
    k1, k2 = jax.random.split(key)
    hour = jax.random.randint(k1, (BATCH,), 0, NUM_HOURS, dtype=jnp.int64 if jax.config.jax_enable_x64 else jnp.int32)
    hour_table = jax.random.normal(k2, (NUM_HOURS, DIM), dtype=jnp.float32)
    return {"hour": hour, "hour_table": hour_table}

def reference(hour, hour_table):
    # Faithful translation of SemanticEncoder.forward: cast to int, lookup in hour embedding table.
    idx = hour.astype(jnp.int32)
    hour_emb = jnp.take(hour_table, idx, axis=0)
    return hour_emb

if __name__ == "__main__":
    import jax
    _d = setup_inputs()
    print(jax.jit(kernel)(*tuple(_d.values())))

</pallas_src>

<mosaic_0001>
#map = affine_map<(d0, d1) -> (0, 0)>
#map1 = affine_map<(d0, d1) -> (0)>
module attributes {stable_mosaic.version = 14 : i64} {
  func.func @k(%arg0: i32, %arg1: i32, %arg2: memref<24x128xf32, #tpu.memory_space<hbm>>, %arg3: memref<16384xi32, #tpu.memory_space<hbm>>, %arg4: memref<16384x128xf32, #tpu.memory_space<hbm>>, %arg5: memref<512xi32, #tpu.memory_space<vmem>>, %arg6: memref<256x128xf32, #tpu.memory_space<vmem>>, %arg7: memref<256x128xf32, #tpu.memory_space<vmem>>, %arg8: memref<24x128xf32, #tpu.memory_space<vmem_shared>>, %arg9: memref<!tpu.dma_semaphore, #tpu.memory_space<semaphore_mem>>, %arg10: memref<!tpu.dma_semaphore, #tpu.memory_space<semaphore_mem>>, %arg11: memref<!tpu.dma_semaphore, #tpu.memory_space<semaphore_mem>>, %arg12: memref<!tpu.dma_semaphore, #tpu.memory_space<semaphore_mem>>, %arg13: memref<!tpu.dma_semaphore, #tpu.memory_space<semaphore_mem>>, %arg14: memref<!tpu.dma_semaphore, #tpu.memory_space<semaphore_mem>>) attributes {dimension_semantics = [#tpu.dimension_semantics<core_parallel>, #tpu.dimension_semantics<subcore_parallel>], iteration_bounds = array<i64: 2, 16>, scalar_prefetch = 0 : i64, scratch_operands = 10 : i64, tpu.core_type = #tpu.core_type<sc_vector_subcore>, window_params = [{transform_indices = #map}, {transform_indices = #map1}, {transform_indices = #map}]} {
    %mul3A = arith.constant 2 : i32
    %mul3A_0 = arith.muli %arg1, %mul3A : i32
    %add3A = arith.addi %mul3A_0, %arg0 : i32
    %mul3A_1 = arith.constant 512 : i32
    %mul3A_2 = arith.muli %add3A, %mul3A_1 : i32
    %dma_start3A = arith.constant 0 : i32
    %dma_start3A_3 = tpu.memref_slice %arg5[%dma_start3A] : memref<512xi32, #tpu.memory_space<vmem>> -> memref<256xi32, #tpu.memory_space<vmem>>
    %dma_start3A_4 = tpu.memref_slice %arg3[%mul3A_2] : memref<16384xi32, #tpu.memory_space<hbm>> -> memref<256xi32, #tpu.memory_space<hbm>>
    %dma_start3A_5 = arith.constant 0 : i32
    %dma_start3A_6 = tpu.memref_slice %arg5[%dma_start3A_5] : memref<512xi32, #tpu.memory_space<vmem>> -> memref<256xi32, #tpu.memory_space<vmem>>
    %dma_start3A_7 = tpu.memref_slice %arg3[%mul3A_2] : memref<16384xi32, #tpu.memory_space<hbm>> -> memref<256xi32, #tpu.memory_space<hbm>>
    tpu.enqueue_dma source(%dma_start3A_7 : memref<256xi32, #tpu.memory_space<hbm>>) target(%dma_start3A_6 : memref<256xi32, #tpu.memory_space<vmem>>) target_semaphore(%arg13 : memref<!tpu.dma_semaphore, #tpu.memory_space<semaphore_mem>>)
    %add3A_8 = arith.constant 256 : i32
    %add3A_9 = arith.addi %mul3A_2, %add3A_8 : i32
    %dma_start3A_10 = arith.constant 256 : i32
    %dma_start3A_11 = tpu.memref_slice %arg5[%dma_start3A_10] : memref<512xi32, #tpu.memory_space<vmem>> -> memref<256xi32, #tpu.memory_space<vmem>>
    %dma_start3A_12 = tpu.memref_slice %arg3[%add3A_9] : memref<16384xi32, #tpu.memory_space<hbm>> -> memref<256xi32, #tpu.memory_space<hbm>>
    %dma_start3A_13 = arith.constant 256 : i32
    %dma_start3A_14 = tpu.memref_slice %arg5[%dma_start3A_13] : memref<512xi32, #tpu.memory_space<vmem>> -> memref<256xi32, #tpu.memory_space<vmem>>
    %dma_start3A_15 = tpu.memref_slice %arg3[%add3A_9] : memref<16384xi32, #tpu.memory_space<hbm>> -> memref<256xi32, #tpu.memory_space<hbm>>
    tpu.enqueue_dma source(%dma_start3A_15 : memref<256xi32, #tpu.memory_space<hbm>>) target(%dma_start3A_14 : memref<256xi32, #tpu.memory_space<vmem>>) target_semaphore(%arg14 : memref<!tpu.dma_semaphore, #tpu.memory_space<semaphore_mem>>)
    %lt3A = arith.constant 12 : i32
    %lt3A_16 = arith.cmpi slt, %arg1, %lt3A : i32
    %convert_element_type3A = arith.extui %lt3A_16 : i1 to i32
    %cond3A = arith.constant 0 : i32
    %cond3A_17 = arith.cmpi ne, %convert_element_type3A, %cond3A : i32
    scf.if %cond3A_17 {
      %mul3A_105 = arith.constant 2 : i32
      %mul3A_106 = arith.muli %arg1, %mul3A_105 : i32
      %mul3A_107 = arith.constant 2 : i32
      %mul3A_108 = arith.muli %arg1, %mul3A_107 : i32
      "tpu.region"() ({
        %run_scoped3A = tpu.sem_alloc : memref<!tpu.dma_semaphore, #tpu.memory_space<semaphore_mem>>
        %dma_start3A_109 = arith.constant 0 : i32
        %dma_start3A_110 = tpu.memref_slice %arg8[%mul3A_108, %dma_start3A_109] : memref<24x128xf32, #tpu.memory_space<vmem_shared>> -> memref<2x128xf32, #tpu.memory_space<vmem_shared>>
        %dma_start3A_111 = arith.constant 0 : i32
        %dma_start3A_112 = tpu.memref_slice %arg2[%mul3A_106, %dma_start3A_111] : memref<24x128xf32, #tpu.memory_space<hbm>> -> memref<2x128xf32, #tpu.memory_space<hbm>>
        tpu.enqueue_dma source(%dma_start3A_112 : memref<2x128xf32, #tpu.memory_space<hbm>>) target(%dma_start3A_110 : memref<2x128xf32, #tpu.memory_space<vmem_shared>>) target_semaphore(%run_scoped3A : memref<!tpu.dma_semaphore, #tpu.memory_space<semaphore_mem>>)
        %dma_wait3A_113 = arith.constant 0 : i32
        %dma_wait3A_114 = tpu.memref_slice %arg8[%mul3A_108, %dma_wait3A_113] : memref<24x128xf32, #tpu.memory_space<vmem_shared>> -> memref<2x128xf32, #tpu.memory_space<vmem_shared>>
        %dma_wait3A_115 = arith.constant 0 : i32
        %dma_wait3A_116 = tpu.memref_slice %arg2[%mul3A_106, %dma_wait3A_115] : memref<24x128xf32, #tpu.memory_space<hbm>> -> memref<2x128xf32, #tpu.memory_space<hbm>>
        tpu.wait_dma2 semaphore(%run_scoped3A : memref<!tpu.dma_semaphore, #tpu.memory_space<semaphore_mem>>) src(%dma_wait3A_116 : memref<2x128xf32, #tpu.memory_space<hbm>>) dst(%dma_wait3A_114 : memref<2x128xf32, #tpu.memory_space<vmem_shared>>)
        tpu.yield
      }) : () -> ()
    } else {
    }
    %barrier3A = arith.constant 0 : index
    tpu.barrier barrier_id(%barrier3A)
    %dma_wait3A = arith.constant 0 : i32
    %dma_wait3A_18 = tpu.memref_slice %arg5[%dma_wait3A] : memref<512xi32, #tpu.memory_space<vmem>> -> memref<256xi32, #tpu.memory_space<vmem>>
    %dma_wait3A_19 = tpu.memref_slice %arg3[%mul3A_2] : memref<16384xi32, #tpu.memory_space<hbm>> -> memref<256xi32, #tpu.memory_space<hbm>>
    %dma_wait3A_20 = arith.constant 0 : i32
    %dma_wait3A_21 = tpu.memref_slice %arg5[%dma_wait3A_20] : memref<512xi32, #tpu.memory_space<vmem>> -> memref<256xi32, #tpu.memory_space<vmem>>
    %dma_wait3A_22 = tpu.memref_slice %arg3[%mul3A_2] : memref<16384xi32, #tpu.memory_space<hbm>> -> memref<256xi32, #tpu.memory_space<hbm>>
    tpu.wait_dma2 semaphore(%arg13 : memref<!tpu.dma_semaphore, #tpu.memory_space<semaphore_mem>>) src(%dma_wait3A_22 : memref<256xi32, #tpu.memory_space<hbm>>) dst(%dma_wait3A_21 : memref<256xi32, #tpu.memory_space<vmem>>)
    %dma_start3A_23 = arith.constant 0 : i32
    %dma_start3A_24 = arith.constant 0 : i32
    %dma_start3A_25 = tpu.memref_slice %arg6[%dma_start3A_23, %dma_start3A_24] : memref<256x128xf32, #tpu.memory_space<vmem>> -> memref<256x128xf32, #tpu.memory_space<vmem>>
    %dma_start3A_26 = arith.constant 0 : i32
    %dma_start3A_27 = tpu.memref_slice %arg5[%dma_start3A_26] : memref<512xi32, #tpu.memory_space<vmem>> -> memref<256xi32, #tpu.memory_space<vmem>>
    %dma_start3A_28 = arith.constant 0 : i32
    %dma_start3A_29 = arith.constant 0 : i32
    %dma_start3A_30 = tpu.memref_slice %arg8[%dma_start3A_28, %dma_start3A_29] : memref<24x128xf32, #tpu.memory_space<vmem_shared>> -> memref<24x128xf32, #tpu.memory_space<vmem_shared>>
    tpu.enqueue_indirect_dma source(%dma_start3A_30 : memref<24x128xf32, #tpu.memory_space<vmem_shared>>) target(%dma_start3A_25 : memref<256x128xf32, #tpu.memory_space<vmem>>) offsets(%dma_start3A_27 : memref<256xi32, #tpu.memory_space<vmem>>) semaphore(%arg9 : memref<!tpu.dma_semaphore, #tpu.memory_space<semaphore_mem>>)
    %dma_wait3A_31 = arith.constant 0 : i32
    %dma_wait3A_32 = arith.constant 0 : i32
    %dma_wait3A_33 = tpu.memref_slice %arg6[%dma_wait3A_31, %dma_wait3A_32] : memref<256x128xf32, #tpu.memory_space<vmem>> -> memref<256x128xf32, #tpu.memory_space<vmem>>
    %dma_wait3A_34 = arith.constant 0 : i32
    %dma_wait3A_35 = tpu.memref_slice %arg5[%dma_wait3A_34] : memref<512xi32, #tpu.memory_space<vmem>> -> memref<256xi32, #tpu.memory_space<vmem>>
    %dma_wait3A_36 = arith.constant 0 : i32
    %dma_wait3A_37 = arith.constant 0 : i32
    %dma_wait3A_38 = tpu.memref_slice %arg8[%dma_wait3A_36, %dma_wait3A_37] : memref<24x128xf32, #tpu.memory_space<vmem_shared>> -> memref<24x128xf32, #tpu.memory_space<vmem_shared>>
    tpu.wait_indirect_dma semaphore(%arg9 : memref<!tpu.dma_semaphore, #tpu.memory_space<semaphore_mem>>) src(%dma_wait3A_38 : memref<24x128xf32, #tpu.memory_space<vmem_shared>>) dst(%dma_wait3A_33 : memref<256x128xf32, #tpu.memory_space<vmem>>)
    %add3A_39 = arith.constant 0 : i32
    %add3A_40 = arith.addi %mul3A_2, %add3A_39 : i32
    %dma_start3A_41 = arith.constant 0 : i32
    %dma_start3A_42 = arith.constant 0 : i32
    %dma_start3A_43 = tpu.memref_slice %arg6[%dma_start3A_41, %dma_start3A_42] : memref<256x128xf32, #tpu.memory_space<vmem>> -> memref<256x128xf32, #tpu.memory_space<vmem>>
    %dma_start3A_44 = arith.constant 0 : i32
    %dma_start3A_45 = tpu.memref_slice %arg4[%add3A_40, %dma_start3A_44] : memref<16384x128xf32, #tpu.memory_space<hbm>> -> memref<256x128xf32, #tpu.memory_space<hbm>>
    %dma_start3A_46 = arith.constant 0 : i32
    %dma_start3A_47 = tpu.memref_slice %arg4[%add3A_40, %dma_start3A_46] : memref<16384x128xf32, #tpu.memory_space<hbm>> -> memref<256x128xf32, #tpu.memory_space<hbm>>
    %dma_start3A_48 = arith.constant 0 : i32
    %dma_start3A_49 = arith.constant 0 : i32
    %dma_start3A_50 = tpu.memref_slice %arg6[%dma_start3A_48, %dma_start3A_49] : memref<256x128xf32, #tpu.memory_space<vmem>> -> memref<256x128xf32, #tpu.memory_space<vmem>>
    tpu.enqueue_dma source(%dma_start3A_50 : memref<256x128xf32, #tpu.memory_space<vmem>>) target(%dma_start3A_47 : memref<256x128xf32, #tpu.memory_space<hbm>>) target_semaphore(%arg11 : memref<!tpu.dma_semaphore, #tpu.memory_space<semaphore_mem>>)
    %dma_wait3A_51 = arith.constant 256 : i32
    %dma_wait3A_52 = tpu.memref_slice %arg5[%dma_wait3A_51] : memref<512xi32, #tpu.memory_space<vmem>> -> memref<256xi32, #tpu.memory_space<vmem>>
    %dma_wait3A_53 = tpu.memref_slice %arg3[%add3A_9] : memref<16384xi32, #tpu.memory_space<hbm>> -> memref<256xi32, #tpu.memory_space<hbm>>
    %dma_wait3A_54 = arith.constant 256 : i32
    %dma_wait3A_55 = tpu.memref_slice %arg5[%dma_wait3A_54] : memref<512xi32, #tpu.memory_space<vmem>> -> memref<256xi32, #tpu.memory_space<vmem>>
    %dma_wait3A_56 = tpu.memref_slice %arg3[%add3A_9] : memref<16384xi32, #tpu.memory_space<hbm>> -> memref<256xi32, #tpu.memory_space<hbm>>
    tpu.wait_dma2 semaphore(%arg14 : memref<!tpu.dma_semaphore, #tpu.memory_space<semaphore_mem>>) src(%dma_wait3A_56 : memref<256xi32, #tpu.memory_space<hbm>>) dst(%dma_wait3A_55 : memref<256xi32, #tpu.memory_space<vmem>>)
    %dma_start3A_57 = arith.constant 0 : i32
    %dma_start3A_58 = arith.constant 0 : i32
    %dma_start3A_59 = tpu.memref_slice %arg7[%dma_start3A_57, %dma_start3A_58] : memref<256x128xf32, #tpu.memory_space<vmem>> -> memref<256x128xf32, #tpu.memory_space<vmem>>
    %dma_start3A_60 = arith.constant 256 : i32
    %dma_start3A_61 = tpu.memref_slice %arg5[%dma_start3A_60] : memref<512xi32, #tpu.memory_space<vmem>> -> memref<256xi32, #tpu.memory_space<vmem>>
    %dma_start3A_62 = arith.constant 0 : i32
    %dma_start3A_63 = arith.constant 0 : i32
    %dma_start3A_64 = tpu.memref_slice %arg8[%dma_start3A_62, %dma_start3A_63] : memref<24x128xf32, #tpu.memory_space<vmem_shared>> -> memref<24x128xf32, #tpu.memory_space<vmem_shared>>
    tpu.enqueue_indirect_dma source(%dma_start3A_64 : memref<24x128xf32, #tpu.memory_space<vmem_shared>>) target(%dma_start3A_59 : memref<256x128xf32, #tpu.memory_space<vmem>>) offsets(%dma_start3A_61 : memref<256xi32, #tpu.memory_space<vmem>>) semaphore(%arg10 : memref<!tpu.dma_semaphore, #tpu.memory_space<semaphore_mem>>)
    %dma_wait3A_65 = arith.constant 0 : i32
    %dma_wait3A_66 = arith.constant 0 : i32
    %dma_wait3A_67 = tpu.memref_slice %arg7[%dma_wait3A_65, %dma_wait3A_66] : memref<256x128xf32, #tpu.memory_space<vmem>> -> memref<256x128xf32, #tpu.memory_space<vmem>>
    %dma_wait3A_68 = arith.constant 256 : i32
    %dma_wait3A_69 = tpu.memref_slice %arg5[%dma_wait3A_68] : memref<512xi32, #tpu.memory_space<vmem>> -> memref<256xi32, #tpu.memory_space<vmem>>
    %dma_wait3A_70 = arith.constant 0 : i32
    %dma_wait3A_71 = arith.constant 0 : i32
    %dma_wait3A_72 = tpu.memref_slice %arg8[%dma_wait3A_70, %dma_wait3A_71] : memref<24x128xf32, #tpu.memory_space<vmem_shared>> -> memref<24x128xf32, #tpu.memory_space<vmem_shared>>
    tpu.wait_indirect_dma semaphore(%arg10 : memref<!tpu.dma_semaphore, #tpu.memory_space<semaphore_mem>>) src(%dma_wait3A_72 : memref<24x128xf32, #tpu.memory_space<vmem_shared>>) dst(%dma_wait3A_67 : memref<256x128xf32, #tpu.memory_space<vmem>>)
    %add3A_73 = arith.constant 256 : i32
    %add3A_74 = arith.addi %mul3A_2, %add3A_73 : i32
    %dma_start3A_75 = arith.constant 0 : i32
    %dma_start3A_76 = arith.constant 0 : i32
    %dma_start3A_77 = tpu.memref_slice %arg7[%dma_start3A_75, %dma_start3A_76] : memref<256x128xf32, #tpu.memory_space<vmem>> -> memref<256x128xf32, #tpu.memory_space<vmem>>
    %dma_start3A_78 = arith.constant 0 : i32
    %dma_start3A_79 = tpu.memref_slice %arg4[%add3A_74, %dma_start3A_78] : memref<16384x128xf32, #tpu.memory_space<hbm>> -> memref<256x128xf32, #tpu.memory_space<hbm>>
    %dma_start3A_80 = arith.constant 0 : i32
    %dma_start3A_81 = tpu.memref_slice %arg4[%add3A_74, %dma_start3A_80] : memref<16384x128xf32, #tpu.memory_space<hbm>> -> memref<256x128xf32, #tpu.memory_space<hbm>>
    %dma_start3A_82 = arith.constant 0 : i32
    %dma_start3A_83 = arith.constant 0 : i32
    %dma_start3A_84 = tpu.memref_slice %arg7[%dma_start3A_82, %dma_start3A_83] : memref<256x128xf32, #tpu.memory_space<vmem>> -> memref<256x128xf32, #tpu.memory_space<vmem>>
    tpu.enqueue_dma source(%dma_start3A_84 : memref<256x128xf32, #tpu.memory_space<vmem>>) target(%dma_start3A_81 : memref<256x128xf32, #tpu.memory_space<hbm>>) target_semaphore(%arg12 : memref<!tpu.dma_semaphore, #tpu.memory_space<semaphore_mem>>)
    %dma_wait3A_85 = arith.constant 0 : i32
    %dma_wait3A_86 = arith.constant 0 : i32
    %dma_wait3A_87 = tpu.memref_slice %arg6[%dma_wait3A_85, %dma_wait3A_86] : memref<256x128xf32, #tpu.memory_space<vmem>> -> memref<256x128xf32, #tpu.memory_space<vmem>>
    %dma_wait3A_88 = arith.constant 0 : i32
    %dma_wait3A_89 = tpu.memref_slice %arg4[%add3A_40, %dma_wait3A_88] : memref<16384x128xf32, #tpu.memory_space<hbm>> -> memref<256x128xf32, #tpu.memory_space<hbm>>
    %dma_wait3A_90 = arith.constant 0 : i32
    %dma_wait3A_91 = tpu.memref_slice %arg4[%add3A_40, %dma_wait3A_90] : memref<16384x128xf32, #tpu.memory_space<hbm>> -> memref<256x128xf32, #tpu.memory_space<hbm>>
    %dma_wait3A_92 = arith.constant 0 : i32
    %dma_wait3A_93 = arith.constant 0 : i32
    %dma_wait3A_94 = tpu.memref_slice %arg6[%dma_wait3A_92, %dma_wait3A_93] : memref<256x128xf32, #tpu.memory_space<vmem>> -> memref<256x128xf32, #tpu.memory_space<vmem>>
    tpu.wait_dma2 semaphore(%arg11 : memref<!tpu.dma_semaphore, #tpu.memory_space<semaphore_mem>>) src(%dma_wait3A_94 : memref<256x128xf32, #tpu.memory_space<vmem>>) dst(%dma_wait3A_91 : memref<256x128xf32, #tpu.memory_space<hbm>>)
    %dma_wait3A_95 = arith.constant 0 : i32
    %dma_wait3A_96 = arith.constant 0 : i32
    %dma_wait3A_97 = tpu.memref_slice %arg7[%dma_wait3A_95, %dma_wait3A_96] : memref<256x128xf32, #tpu.memory_space<vmem>> -> memref<256x128xf32, #tpu.memory_space<vmem>>
    %dma_wait3A_98 = arith.constant 0 : i32
    %dma_wait3A_99 = tpu.memref_slice %arg4[%add3A_74, %dma_wait3A_98] : memref<16384x128xf32, #tpu.memory_space<hbm>> -> memref<256x128xf32, #tpu.memory_space<hbm>>
    %dma_wait3A_100 = arith.constant 0 : i32
    %dma_wait3A_101 = tpu.memref_slice %arg4[%add3A_74, %dma_wait3A_100] : memref<16384x128xf32, #tpu.memory_space<hbm>> -> memref<256x128xf32, #tpu.memory_space<hbm>>
    %dma_wait3A_102 = arith.constant 0 : i32
    %dma_wait3A_103 = arith.constant 0 : i32
    %dma_wait3A_104 = tpu.memref_slice %arg7[%dma_wait3A_102, %dma_wait3A_103] : memref<256x128xf32, #tpu.memory_space<vmem>> -> memref<256x128xf32, #tpu.memory_space<vmem>>
    tpu.wait_dma2 semaphore(%arg12 : memref<!tpu.dma_semaphore, #tpu.memory_space<semaphore_mem>>) src(%dma_wait3A_104 : memref<256x128xf32, #tpu.memory_space<vmem>>) dst(%dma_wait3A_101 : memref<256x128xf32, #tpu.memory_space<hbm>>)
    return
  }
}

</mosaic_0001>

<sc_bundles>
// kernel: kernel.3.cloned.1.call-start
scs
__scs_entry_jumppad:
0x0: {  	(pc) =	sbr.rel $0x88, $3  }
0x1: {  	(tag) =	ssettag $0x0;
	lr =	simm.s32 $0x1  }
0x2: {  	[smem:$0x3F9F] =	sst lr;
	_ =	strace $0xD0000000  }
0x3: {  	_ = 	snop  }
0x4: {  	_ = 	snop  }
0x5: {  	_ = 	snop  }
0x6: {  	_ = 	snop  }
0x7: {  	_ = 	snop  }
__scs_overlays_trampoline_lowered:
0x8: {  	[smem:$0x3FAE] =	sst s0  }
0x9: {  	[smem:$0x3FAF] =	sst s1  }
0xa: {  	[smem:$0x3FB0] =	sst s2  }
0xb: {  	[smem:$0x3FB1] =	sst s3  }
0xc: {  	[smem:$0x3FB2] =	sst s4  }
0xd: {  	[smem:$0x3FB3] =	sst s5  }
0xe: {  	[smem:$0x3FB4] =	sst s6  }
0xf: {  	[smem:$0x3FB5] =	sst s7  }
0x10: {  	[smem:$0x3FB6] =	sst s8  }
0x11: {  	[smem:$0x3FB7] =	sst s9;
	s0 =	simm.s32 @!p0 $0x0  }
0x12: {  	s1 =	sld [smem:$0x3F9D];
	s0 =	simm.s32 @p0 $0x1  }
0x13: {  	[smem:$0x3FB8] =	sst s0;
	s0 =	simm.s32 @!p1 $0x0  }
0x14: {  	s2 =	sld [smem:$0x3F9C];
	s0 =	simm.s32 @p1 $0x1  }
0x15: {  	[smem:$0x3FB9] =	sst s0;
	s0 =	simm.s32 @!p2 $0x0  }
0x16: {  	s3 =	sld [smem:$0x3FDB];
	s0 =	simm.s32 @p2 $0x1  }
0x17: {  	s4 =	simm.s32 $0x1BF5;
	[smem:$0x3FBB] =	sst s0  }
0x18: {  	s0 =	sld [smem:$0x3F9E];
	_ =	swait.ge [sflag:s4], $0x0  }
0x19: {  	s7 =	sld [smem:$0x3F9F]  }
0x1a: {  	s8 =	sadd.s32 $0xFFFFE003, lr  }
0x1b: {  	s9 =	sadd.s32 $0xFFFFFEF7, lr;
	s5 =	simm.s32 $0xFFFFFFFF;
	p2 =	slt.u32 s8, $0xFFFFF086  }
0x1c: {  	p1 =	slt.u32 s9, $0xF7A;
	s5 =	simm.s32 @!p2 $0x0  }
0x1d: {  	s5 =	simm.s32 @p1 $0x1;
	p0 =	seq.s32 s7, s2  }
0x1e: {  	s7 =	smul.u32 @!p0 $0xF7A, s2;
	p2 =	seq.s32 @!p0 s5, $0x0  }
0x1f: {  	s9 =	smul.u32 $0xF7A, s1;
	s8 =	simm.s32 @!p0 $0x1BF5;
	p2 =	por !p2, p0  }
0x20: {  	[sflag:s8] =	ssyncset.s32 @!p0 $0xFFFFF086;
	s6 =	sadd.s32 @!p0 s3, s7;
	s7 =	simm.s32 @!p0 $0x108  }
0x21: {  	s3 =	sadd.s32 s3, s9;
	s6 =	sadd.s32 @!p0 $0x88, s6;
	s7 =	simm.s32 @p2 $0x1082  }
0x22: {  	[simem:s7], [sflag:s8] =	dma.local @!p0 [hbm:s6], $0xF7A  }
0x23: {  	s9 =	sor.u32 $0xD0000000, s2;
	s6 =	simm.s32 $0x108;
	_ =	swait.ge @!p0 [sflag:s8], $0x0  }
0x24: {  	s3 =	sadd.s32 $0x88, s3;
	s6 =	simm.s32 @!p1 $0x1082;
	[sflag:s4] =	ssyncset.s32 $0xFFFFF086  }
0x25: {  	[simem:s6], [sflag:s4] =	dma.local [hbm:s3], $0xF7A  }
0x26: {  	[smem:$0x3F9F] =	sst s1;
	(tag) =	ssettag s2;
	_ =	strace s9  }
0x27: {  	s1 =	sld [smem:$0x3FAF]  }
0x28: {  	s2 =	sld [smem:$0x3FB0]  }
0x29: {  	s4 =	sld [smem:$0x3FB2]  }
0x2a: {  	p0 =	seq.s32 s5, $0x0;
	s5 =	sld [smem:$0x3FB3]  }
0x2b: {  	s6 =	sld [smem:$0x3FB4]  }
0x2c: {  	s7 =	sld [smem:$0x3FB5]  }
0x2d: {  	s3 =	simm.s32 $0x108;
	s8 =	sld [smem:$0x3FB6]  }
0x2e: {  	s3 =	simm.s32 @!p0 $0x1082;
	s9 =	sld [smem:$0x3FB7]  }
0x2f: {  	lr =	sadd.s32 s0, s3;
	s0 =	sld [smem:$0x3FAE]  }
0x30: {  	s3 =	sld [smem:$0x3FB1]  }
0x31: {  	[smem:$0x3FBA] =	sst s10  }
0x32: {  	s10 =	sld [smem:$0x3FB8];
	_ =	sdelay $0x3  }
0x33: {  	p0 =	seq.s32 s10, $0x1;
	s10 =	sld [smem:$0x3FBA];
	_ =	sdelay $0x3  }
0x34: {  	[smem:$0x3FBA] =	sst s10  }
0x35: {  	s10 =	sld [smem:$0x3FB9];
	_ =	sdelay $0x3  }
0x36: {  	p1 =	seq.s32 s10, $0x1;
	s10 =	sld [smem:$0x3FBA];
	_ =	sdelay $0x3  }
0x37: {  	[smem:$0x3FBA] =	sst s10  }
0x38: {  	s10 =	sld [smem:$0x3FBB]  }
0x39: {  	_ = 	snop;
	(pc) =	sbr.ind lr, $3  }
0x3a: {  	_ = 	snop  }
0x3b: {  	_ = 	snop  }
0x3c: {  	p2 =	seq.s32 s10, $0x1;
	s10 =	sld [smem:$0x3FBA]  }
0x3d: {  	_ =	shalt  }
0x3e: {  	_ =	shalt  }
0x3f: {  	_ =	shalt  }
0x40: {  	_ =	shalt  }
0x41: {  	_ =	shalt  }
0x42: {  	_ =	shalt  }
0x43: {  	_ =	shalt  }
0x44: {  	_ =	shalt  }
0x45: {  	_ =	shalt  }
0x46: {  	_ =	shalt  }
0x47: {  	_ =	shalt  }
0x48: {  	_ =	shalt  }
0x49: {  	_ =	shalt  }
0x4a: {  	_ =	shalt  }
0x4b: {  	_ =	shalt  }
0x4c: {  	_ =	shalt  }
0x4d: {  	_ =	shalt  }
0x4e: {  	_ =	shalt  }
0x4f: {  	_ =	shalt  }
0x50: {  	_ =	shalt  }
0x51: {  	_ =	shalt  }
0x52: {  	_ =	shalt  }
0x53: {  	_ =	shalt  }
0x54: {  	_ =	shalt  }
0x55: {  	_ =	shalt  }
0x56: {  	_ =	shalt  }
0x57: {  	_ =	shalt  }
0x58: {  	_ =	shalt  }
0x59: {  	_ =	shalt  }
0x5a: {  	_ =	shalt  }
0x5b: {  	_ =	shalt  }
0x5c: {  	_ =	shalt  }
0x5d: {  	_ =	shalt  }
0x5e: {  	_ =	shalt  }
0x5f: {  	_ =	shalt  }
0x60: {  	_ =	shalt  }
0x61: {  	_ =	shalt  }
0x62: {  	_ =	shalt  }
0x63: {  	_ =	shalt  }
0x64: {  	_ =	shalt  }
0x65: {  	_ =	shalt  }
0x66: {  	_ =	shalt  }
0x67: {  	_ =	shalt  }
0x68: {  	_ =	shalt  }
0x69: {  	_ =	shalt  }
0x6a: {  	_ =	shalt  }
0x6b: {  	_ =	shalt  }
0x6c: {  	_ =	shalt  }
0x6d: {  	_ =	shalt  }
0x6e: {  	_ =	shalt  }
0x6f: {  	_ =	shalt  }
0x70: {  	_ =	shalt  }
0x71: {  	_ =	shalt  }
0x72: {  	_ =	shalt  }
0x73: {  	_ =	shalt  }
0x74: {  	_ =	shalt  }
0x75: {  	_ =	shalt  }
0x76: {  	_ =	shalt  }
0x77: {  	_ =	shalt  }
0x78: {  	_ =	shalt  }
0x79: {  	_ =	shalt  }
0x7a: {  	_ =	shalt  }
0x7b: {  	_ =	shalt  }
0x7c: {  	_ =	shalt  }
0x7d: {  	_ =	shalt  }
0x7e: {  	_ =	shalt  }
0x7f: {  	_ =	shalt  }
0x80: {  	_ =	shalt  }
0x81: {  	_ =	shalt  }
0x82: {  	_ =	shalt  }
0x83: {  	_ =	shalt  }
0x84: {  	_ =	shalt  }
0x85: {  	_ =	shalt  }
0x86: {  	_ =	shalt  }
0x87: {  	_ =	shalt  }
.Lfunc_end0:
.L_simem_size_0:
called_computation_lowered:
.L_overlay_start_0:
0x88: {  	s2 =	sld [smem:$0x3FD9]  }
0x89: {  	s3 =	sld [smem:$0x3FFE];
	_ =	sdelay $0x1  }
0x8a: {  	s1 =	srdreg.scid  }
0x8b: {  	s0 =	sand.u32 $0x1, s1  }
0x8c: {  	s18 =	sshll.u32 s0, $0xA;
	s2 =	sadd.s32 s3, s2  }
0x8d: {  	s2 =	sadd.s32 s2, s18  }
0x8e: {  	[smem:$0x3FC6] =	sst s2  }
0x8f: {  	_ = 	snop  }
0x90: {  	s2 =	sld [smem:$0x3FC9]  }
0x91: {  	s19 =	sld [smem:$0x3FC8]  }
0x92: {  	s4 =	sld [smem:$0x3FD0];
	(tm) =	ssettm $0x1  }
0x93: {  	s5 =	sld [smem:$0x3FFB];
	_ =	sdelay $0x3  }
0x94: {  	_ =	strace s5  }
0x95: {  	s5 =	sld [smem:$0x3FFC];
	_ =	sdelay $0x3  }
0x96: {  	_ =	strace s5  }
0x97: {  	s5 =	sld [smem:$0x3FFD];
	_ =	sdelay $0x3  }
0x98: {  	_ =	strace s5  }
0x99: {  	_ =	strace $0x8FFFFFFF  }
0x9a: {  	s20 =	sld [smem:$0x3FDB];
	_ =	sdelay $0x1  }
0x9b: {  	s6 =	simm.s32 $_scs_section_size  }
0x9c: {  	s7 =	simm.s32 $_size__tile_overlayer_lowered;
	s8 =	simm.s32 $_tile_overlayer_lowered  }
0x9d: {  	s23 =	simm.s32 $0x1BFF;
	s22 =	sshll.u32 s8, $0x1;
	s5 =	sadd.s32 s6, s20  }
0x9e: {  	s9 =	simm.s32 $0x0;
	s21 =	sshll.u32 s7, $0x1;
	s7 =	sadd.s32 s22, s5  }
0x9f: {  	[timem:s9], [sflag:s23] =	dma.local [hbm:s7], s21  }
0xa0: {  	_ =	swait.ge [sflag:s23], s21  }
0xa1: {  	s6 =	ssub.s32 $0x0, s21;
	[sflag:s23] =	ssyncset.done $0x0  }
0xa2: {  	[sflag:s23] =	ssyncadd.s32 s6;
	_ =	sdelay $0x1  }
0xa3: {  	s24 =	simm.s32 $0x1B8B  }
0xa4: {  	_ =	swait.ge [sflag:s24], $0x1  }
0xa5: {  	[sflag:s24] =	ssyncset.done $0x0  }
0xa6: {  	s25 =	simm.s32 $0x1B8E;
	[sflag:s24] =	ssyncadd.s32 $0xFFFFFFFF  }
0xa7: {  	s26 =	simm.s32 $execute0_lowered;
	[smem:$0x3FD2] =	sst s25  }
0xa8: {  	s6 =	sshll.u32 s26, $0x1;
	_ =	strace $0x80000046;
	[dreg:$0x1] =	wrdreg $0xFFFFFFFF  }
0xa9: {  	s28 =	simm.s32 $_size_execute0_lowered;
	s5 =	sadd.s32 s5, s6;
	[dreg:$0x0] =	wrdreg $0x0  }
0xaa: {  	s6 =	sshll.u32 s28, $0x1;
	[dreg:$0x2] =	wrdreg s5  }
0xab: {  	[dreg:$0x3] =	wrdreg s6  }
0xac: {  	[dreg:$0x4] =	wrdreg $0xC0  }
0xad: {  	_ =	task [dreg:s9], $0x5FFFF  }
0xae: {  	[dreg:$0x1] =	wrdreg $0xFFFFFFFF  }
0xaf: {  	[dreg:$0x0] =	wrdreg $0x60  }
0xb0: {  	[dreg:$0x2] =	wrdreg s19  }
0xb1: {  	[dreg:$0x3] =	wrdreg s2  }
0xb2: {  	[dreg:$0x4] =	wrdreg s4  }
0xb3: {  	[dreg:$0x5] =	wrdreg $0x102000  }
0xb4: {  	[dreg:$0x6] =	wrdreg $0x9  }
0xb5: {  	_ =	task.clear_ibuf [dreg:s9], $0x7FFFF;
	_ =	strace $0x90000046  }
0xb6: {  	s29 =	simm.s32 $0x9;
	_ =	strace $0x80000048  }
0xb7: {  	_ =	swait.ge [sflag:s29], $0x1  }
0xb8: {  	[sflag:s29] =	ssyncadd.s32 $0xFFFFFFFF  }
0xb9: {  	_ =	strace $0x90000048  }
0xba: {  	_ =	sfence  }
0xbb: {  	s30 =	sld [smem:$0x0];
	_ =	sdelay $0x2  }
0xbc: {  	s31 =	sshll.u32 s1, $0xD;
	s1 =	sshrl.u32 s1, $0x2  }
0xbd: {  	s3 =	sand.u32 $0x4000, s31;
	s1 =	sadd.s32 s1, s30  }
0xbe: {  	s0 =	sor.u32 s3, s0;
	s1 =	sshll.u32 s1, $0x11  }
0xbf: {  	s0 =	sor.u32 s1, s0  }
0xc0: {  	s0 =	sadd.s32 $0x8F2B, s0  }
0xc1: {  	[sflag:s0] =	ssyncadd.remote.s32 $0x1  }
0xc2: {  	_ =	sfence.sel $0xFFFF  }
0xc3: {  	[dreg:$0x0] =	wrdreg $0xFFFFFFFF;
	(pc) =	sbr.abs _section_cstart, $3  }
0xc4: {  	[dreg:$0x1] =	wrdreg $0xFFFFFFFF  }
0xc5: {  	_ =	task.clear_ibuf [dreg:s9], $0x2FFFF;
	_ =	strace $0x9FFFFFFF  }
0xc6: {  	(tm) =	ssettm $0x7FFFFFFF  }
0xc7: {  	_ =	shalt  }
tec
execute0_lowered:
.L_overlay_start_1:
0x0: {  	(tag) =	ssettag $0x1  }
0x1: {  	s6 =	rddreg [dreg:$0x0]  }
0x2: {  	s5 =	rddreg [dreg:$0x1]  }
0x3: {  	s1 =	srdreg.scid;
	s18 =	rddreg [dreg:$0x2]  }
0x4: {  	s0 =	stileid.u32;
	s2 =	rddreg [dreg:$0x3]  }
0x5: {  	s3 =	simm.s32 $0x0;
	s19 =	sand.u32 $0x1, s1;
	s1 =	rddreg [dreg:$0x4]  }
0x6: {  	s7 =	sshll.u32 s0, $0xA;
	[smem:$0x7FF] =	sst s3  }
0x7: {  	s29 =	sshll.u32 s0, $0x5;
	p0 =	sgt.u32 s0, $0xB;
	s4 =	sshll.u32 s19, $0x9  }
0x8: {  	_ =	strace $0x80000047;
	s6 =	sadd.s32 s6, s29;
	s14 =	sor.u32 s4, s7  }
0x9: {  	s10 =	simm.s32 @!p0 $0x7;
	s7 =	sshrl.u32 s7, $0x2;
	s20 =	sor.u32 $0x100, s14  }
0xa: {  	s4 =	sshrl.u32 s14, $0x3;
	s9 =	sadd.s32 s7, s2;
	s8 =	sshrl.u32 s20, $0x3  }
0xb: {  	s4 =	sadd.s32 s5, s4;
	s5 =	sadd.s32 s5, s8;
	s8 =	sshll.u32 @!p0 s0, $0x6  }
0xc: {  	[tilespmem:s3], [sflag:$0x5] =	stream.linear.gather [hbm4b:s4+s3], $0x100, $0x38;
	[tilespmem:$0x102C0] =	vst v63  }
0xd: {  	s7 =	simm.s32 $0x100;
	s9 =	sshrl.u32 @!p0 s9, $0x3;
	s8 =	sor.u32 @!p0 $0x1C07, s8  }
0xe: {  	[tilespmem:s7], [sflag:$0x6] =	stream.linear.gather [hbm4b:s5+s3], $0x100, $0x38;
	[tilespmem:$0x102C0] =	vst v63  }
0xf: {  	[spmem:s9], [sflag:s8] =	dma.local @!p0 [hbm:s6], $0x20  }
0x10: {  	_ =	swait.ge @!p0 [sflag:s10], $0x20  }
0x11: {  	[sflag:s10] =	ssyncset.done @!p0 $0x0  }
0x12: {  	[sflag:s10] =	ssyncadd.s32 @!p0 $0xFFFFFFE0  }
0x13: {  	s11 =	simm.s32 $0x5;
	[bflag:$0x0] =	sbarrier.arrive $0xFFFF  }
0x14: {  	_ =	swait.ge [sflag:s11], $0x100  }
0x15: {  	[sflag:s11] =	ssyncset.done $0x0  }
0x16: {  	s12 =	simm.s32 $0x200;
	s13 =	simm.s32 $0x1;
	[sflag:s11] =	ssyncadd.s32 $0xFFFFFF00  }
0x17: {  	[tilespmem:s12], [sflag:$0x1] =	stream.indirect.gather [spmem:s2], $0x80, s3, s7, $0xb8;
	[tilespmem:$0x102C0] =	vst v63  }
0x18: {  	_ =	swait.ge [sflag:s13], $0x8000  }
0x19: {  	s14 =	sshll.u32 s14, $0x4;
	[sflag:s13] =	ssyncset.done $0x0  }
0x1a: {  	s15 =	simm.s32 $0x6;
	s14 =	sadd.s32 s18, s14;
	[sflag:s13] =	ssyncadd.s32 $0xFFFF8000  }
0x1b: {  	[hbm4b:s14+s3] =	stream.linear.scatter [tilespmem:s12], [sflag:$0x3], $0x8000, $0x38;
	[tilespmem:$0x102C0] =	vst v63  }
0x1c: {  	s21 =	ssub.s32 $0x2, s19;
	_ =	swait.ge [sflag:s15], $0x100  }
0x1d: {  	s16 =	simm.s32 $0x8200;
	s22 =	sshrl.u32 s21, $0x1;
	[sflag:s15] =	ssyncset.done $0x0  }
0x1e: {  	s17 =	simm.s32 $0x2;
	s31 =	ssub.s32 s21, s22;
	[sflag:s15] =	ssyncadd.s32 $0xFFFFFF00  }
0x1f: {  	[tilespmem:s16], [sflag:$0x2] =	stream.indirect.gather [spmem:s2], $0x80, s7, s7, $0xb8;
	[tilespmem:$0x102C0] =	vst v63  }
0x20: {  	s19 =	simm.s32 $0x3;
	s21 =	smax.u32 s31, $0x1;
	_ =	swait.ge [sflag:s17], $0x8000  }
0x21: {  	s30 =	sshll.u32 s20, $0x4;
	s21 =	sadd.s32 $0xFFFFFFFF, s21;
	[sflag:s17] =	ssyncset.done $0x0  }
0x22: {  	s18 =	sadd.s32 s18, s30;
	p1 =	sne.s32 s21, $0x0;
	[sflag:s17] =	ssyncadd.s32 $0xFFFF8000  }
0x23: {  	[hbm4b:s18+s3] =	stream.linear.scatter [tilespmem:s16], [sflag:$0x4], $0x8000, $0x38;
	[tilespmem:$0x102C0] =	vst v63  }
.Ltmp0:
0x24: {  	_ =	swait.ge [sflag:s19], $0x8000;
	(pc) =	sbr.rel @!p1 .LBB2_2-.Ltmp0, $4  }
0x25: {  	[sflag:s19] =	ssyncset.done $0x0  }
0x26: {  	s20 =	simm.s32 $0x4;
	[sflag:s19] =	ssyncadd.s32 $0xFFFF8000  }
0x27: {  	_ =	swait.ge [sflag:s20], $0x8000  }
0x28: {  	[sflag:s20] =	ssyncset.done $0x0  }
.LBB2_1:
0x29: {  	s21 =	sadd.s32 $0xFFFFFFFF, s21;
	[sflag:s20] =	ssyncadd.s32 $0xFFFF8000  }
0x2a: {  	[tilespmem:s3], [sflag:$0x5] =	stream.linear.gather [hbm4b:s4+s3], $0x100, $0x38;
	[tilespmem:$0x102C0] =	vst v63  }
0x2b: {  	p1 =	sne.s32 s21, $0x0  }
0x2c: {  	[tilespmem:s7], [sflag:$0x6] =	stream.linear.gather [hbm4b:s5+s3], $0x100, $0x38;
	[tilespmem:$0x102C0] =	vst v63  }
0x2d: {  	[spmem:s9], [sflag:s8] =	dma.local @!p0 [hbm:s6], $0x20  }
0x2e: {  	_ =	swait.ge @!p0 [sflag:s10], $0x20  }
0x2f: {  	[sflag:s10] =	ssyncset.done @!p0 $0x0  }
0x30: {  	[sflag:s10] =	ssyncadd.s32 @!p0 $0xFFFFFFE0  }
0x31: {  	[bflag:$0x0] =	sbarrier.arrive $0xFFFF  }
0x32: {  	_ =	swait.ge [sflag:s11], $0x100  }
0x33: {  	[sflag:s11] =	ssyncset.done $0x0  }
0x34: {  	[sflag:s11] =	ssyncadd.s32 $0xFFFFFF00  }
0x35: {  	[tilespmem:s12], [sflag:$0x1] =	stream.indirect.gather [spmem:s2], $0x80, s3, s7, $0xb8;
	[tilespmem:$0x102C0] =	vst v63  }
0x36: {  	_ =	swait.ge [sflag:s13], $0x8000  }
0x37: {  	[sflag:s13] =	ssyncset.done $0x0  }
0x38: {  	[sflag:s13] =	ssyncadd.s32 $0xFFFF8000  }
0x39: {  	[hbm4b:s14+s3] =	stream.linear.scatter [tilespmem:s12], [sflag:$0x3], $0x8000, $0x38;
	[tilespmem:$0x102C0] =	vst v63  }
0x3a: {  	_ =	swait.ge [sflag:s15], $0x100  }
0x3b: {  	[sflag:s15] =	ssyncset.done $0x0  }
0x3c: {  	[sflag:s15] =	ssyncadd.s32 $0xFFFFFF00  }
0x3d: {  	[tilespmem:s16], [sflag:$0x2] =	stream.indirect.gather [spmem:s2], $0x80, s7, s7, $0xb8;
	[tilespmem:$0x102C0] =	vst v63  }
0x3e: {  	_ =	swait.ge [sflag:s17], $0x8000  }
0x3f: {  	[sflag:s17] =	ssyncset.done $0x0  }
0x40: {  	[sflag:s17] =	ssyncadd.s32 $0xFFFF8000  }
0x41: {  	[hbm4b:s18+s3] =	stream.linear.scatter [tilespmem:s16], [sflag:$0x4], $0x8000, $0x38;
	[tilespmem:$0x102C0] =	vst v63  }
.Ltmp1:
0x42: {  	_ =	swait.ge [sflag:s19], $0x8000;
	(pc) =	sbr.rel @p1 .LBB2_1-.Ltmp1, $4  }
0x43: {  	[sflag:s19] =	ssyncset.done $0x0  }
0x44: {  	[sflag:s19] =	ssyncadd.s32 $0xFFFF8000  }
0x45: {  	_ =	swait.ge [sflag:s20], $0x8000  }
0x46: {  	[sflag:s20] =	ssyncset.done $0x0  }
.LBB2_2:
0x47: {  	[sflag:s20] =	ssyncadd.s32 $0xFFFF8000  }
0x48: {  	_ =	sfence.sel $0x180000  }
0x49: {  	[bflag:$0x0] =	sbarrier.arrive $0xFFFF  }
0x4a: {  	p0 =	sne.s32 s0, $0x0;
	_ =	strace $0x90000047  }
0x4b: {  	s0 =	sadd.s32 @!p0 $0x100000, s1;
	[bflag:$0x2] =	sbarrier.arrive $0xFFFF  }
0x4c: {  	[sflag:s0] =	ssyncadd.tile.s32 @!p0 $0x1;
	_ =	shalt  }
.Lfunc_end2:
_tile_overlayer_lowered:
.L_overlay_start_2:
0x4d: {  	(tag) =	ssettag $0x2  }
0x4e: {  	s0 =	rddreg [dreg:$0x0];
	s2 =	stileid.u32  }
0x4f: {  	s1 =	rddreg [dreg:$0x1];
	p0 =	sne.s32 s2, $0x0  }
0x50: {  	s3 =	rddreg [dreg:$0x2];
	[bflag:$0x3] =	sbarrier.arrive $0xFFFF;
	s2 =	simm.s32 @!p0 $0x1C07  }
0x51: {  	[timem:s3], [sflag:s2] =	dma.local @!p0 [hbm:s0], s1  }
0x52: {  	s0 =	simm.s32 @!p0 $0x7  }
0x53: {  	_ =	swait.ge @!p0 [sflag:s0], s1  }
0x54: {  	s1 =	ssub.s32 @!p0 $0x0, s1;
	[sflag:s0] =	ssyncset.done @!p0 $0x0  }
0x55: {  	[sflag:s0] =	ssyncadd.s32 @!p0 s1  }
0x56: {  	[bflag:$0x3] =	sbarrier.arrive $0xFFFF  }
0x57: {  	_ =	shalt  }

</sc_bundles>
